<compile_context>
chip_gen: v7x
topology: tpu7x:2x2x1
jax: 0.10.2.dev20260603
libtpu: 0.0.44.dev20260713+nightly
codegen_flags: <defaults>
</compile_context>

<pallas_src>
import dataclasses
import functools

import jax
import jax.numpy as jnp
from jax import lax
from jax.experimental import pallas as pl
from jax.experimental.pallas import tpu as pltpu
from jax.experimental.pallas import tpu_sc as plsc

D_MODEL = 2048
D_FF = 8192
NUM_OPS = 16

BM = 1024
BF = 2048
BN = 512
NF = D_FF // BF
NN = D_MODEL // BN


def _sc_route(x16):
    mesh = plsc.VectorSubcoreMesh(
        core_axis_name="c", subcore_axis_name="s", num_cores=1
    )

    cp = pltpu.CompilerParams()
    if "needs_layout_passes" in pltpu.CompilerParams.__dataclass_fields__:
        cp = dataclasses.replace(cp, needs_layout_passes=False)

    @functools.partial(
        pl.kernel,
        mesh=mesh,
        compiler_params=cp,
        out_type=jax.ShapeDtypeStruct((NUM_OPS,), jnp.int32),
        scratch_types=[
            pltpu.VMEM((NUM_OPS,), jnp.float32),
            pltpu.VMEM((NUM_OPS,), jnp.int32),
        ],
    )
    def route(x_hbm, op_hbm, v_ref, o_ref):
        is_leader = jnp.logical_and(
            lax.axis_index("c") == 0, lax.axis_index("s") == 0
        )

        @pl.when(is_leader)
        def _():
            pltpu.sync_copy(x_hbm, v_ref)
            v = v_ref[...]
            mx = jnp.max(v)
            idx = lax.iota(jnp.int32, NUM_OPS)
            cand = jnp.where(v == mx, idx, NUM_OPS)
            o_ref[...] = jnp.broadcast_to(jnp.min(cand), (NUM_OPS,))
            pltpu.sync_copy(o_ref, op_hbm)

    return route(x16)


def _hidden_body(op_ref, x_ref, w1_ref, b1_ref, w2c_ref, h_ref, w2b_ref):
    h = jnp.dot(x_ref[...], w1_ref[0], preferred_element_type=jnp.float32)
    h_ref[...] = jnp.maximum(h + b1_ref[0], 0.0).astype(jnp.bfloat16)
    w2b_ref[...] = w2c_ref[0].astype(jnp.bfloat16)


def _output_body(op_ref, h_ref, w2_ref, b2_ref, o_ref):
    o_ref[...] = (
        jnp.dot(h_ref[...], w2_ref[...], preferred_element_type=jnp.float32)
        + b2_ref[0]
    )


def kernel(x, W1, b1, W2, b2):
    batch, seq, d_model = x.shape
    m_total = batch * seq
    xf = x.reshape(m_total, d_model)

    op_arr = _sc_route(xf[0, :NUM_OPS])

    b1r = b1.reshape(b1.shape[0], 1, D_FF)
    b2r = b2.reshape(b2.shape[0], 1, d_model)

    n_steps = NF * (m_total // BM)
    w2_rows = D_FF // n_steps
    h, w2b = pl.pallas_call(
        _hidden_body,
        grid_spec=pltpu.PrefetchScalarGridSpec(
            num_scalar_prefetch=1,
            grid=(NF, m_total // BM),
            in_specs=[
                pl.BlockSpec((BM, d_model), lambda f, m, op: (m, 0)),
                pl.BlockSpec((1, d_model, BF), lambda f, m, op: (op[0], 0, f)),
                pl.BlockSpec((1, 1, BF), lambda f, m, op: (op[0], 0, f)),
                pl.BlockSpec(
                    (1, w2_rows, d_model),
                    lambda f, m, op: (op[0], f * (m_total // BM) + m, 0),
                ),
            ],
            out_specs=[
                pl.BlockSpec((BM, BF), lambda f, m, op: (m, f)),
                pl.BlockSpec(
                    (w2_rows, d_model),
                    lambda f, m, op: (f * (m_total // BM) + m, 0),
                ),
            ],
        ),
        out_shape=[
            jax.ShapeDtypeStruct((m_total, D_FF), jnp.bfloat16),
            jax.ShapeDtypeStruct((D_FF, d_model), jnp.bfloat16),
        ],
        compiler_params=pltpu.CompilerParams(
            dimension_semantics=("arbitrary", "arbitrary"),
            vmem_limit_bytes=64 * 1024 * 1024,
        ),
    )(op_arr, xf, W1, b1r, W2)

    out = pl.pallas_call(
        _output_body,
        grid_spec=pltpu.PrefetchScalarGridSpec(
            num_scalar_prefetch=1,
            grid=(m_total // BM, NN),
            in_specs=[
                pl.BlockSpec((BM, D_FF), lambda m, n, op: (m, 0)),
                pl.BlockSpec((D_FF, BN), lambda m, n, op: (0, n)),
                pl.BlockSpec((1, 1, BN), lambda m, n, op: (op[0], 0, n)),
            ],
            out_specs=pl.BlockSpec((BM, BN), lambda m, n, op: (m, n)),
        ),
        out_shape=jax.ShapeDtypeStruct((m_total, d_model), jnp.float32),
        compiler_params=pltpu.CompilerParams(
            dimension_semantics=("arbitrary", "arbitrary"),
            vmem_limit_bytes=64 * 1024 * 1024,
        ),
    )(op_arr, h, w2b, b2r)

    return out.reshape(batch, seq, d_model)

# --- scband reference (transcript-rebuilt; emitter-appended) ---
"""Pipeline reference for scband-unified-mo-elayer-62380105007481 (READ-ONLY COPY).

The authoritative reference and input builder live on the scoring server;
editing this copy changes nothing except your own understanding.
"""

import jax, jax.numpy as jnp
import numpy as np

# Globals mirroring the E namespace in the original code
D_MODEL = 2048      # E.DIM
D_FF = 8192         # PureFFN hidden_dim
NUM_EXPERTS = 16    # len(experts) == E.NUM_OPS
OP_START = 0        # E.OP_START
NUM_OPS = 16        # E.NUM_OPS
BATCH = 4
SEQ = 2048


def setup_inputs(seed: int = 0) -> dict:
    key = jax.random.key(seed)
    k0, k1, k2 = jax.random.split(key, 3)
    x = jax.random.normal(k0, (BATCH, SEQ, D_MODEL), dtype=jnp.float32)
    # Stacked expert parameters: experts[str(op)] = PureFFN(D_MODEL, D_FF)
    W1 = jax.random.normal(k1, (NUM_EXPERTS, D_MODEL, D_FF), dtype=jnp.float32) * 0.02
    b1 = jnp.zeros((NUM_EXPERTS, D_FF), dtype=jnp.float32)
    W2 = jax.random.normal(k2, (NUM_EXPERTS, D_FF, D_MODEL), dtype=jnp.float32) * 0.02
    b2 = jnp.zeros((NUM_EXPERTS, D_MODEL), dtype=jnp.float32)
    return {"x": x, "W1": W1, "b1": b1, "W2": W2, "b2": b2}


def reference(x, W1, b1, W2, b2):
    # Decode active opcode from the one-hot opcode slot of the first token
    opcode_vec = x[0, 0, OP_START:OP_START + NUM_OPS]
    op = jnp.argmax(opcode_vec)  # int scalar; every opcode 0..NUM_OPS-1 has an expert
    # Select expert weights (gather along expert axis)
    w1 = jnp.take(W1, op, axis=0)
    bb1 = jnp.take(b1, op, axis=0)
    w2 = jnp.take(W2, op, axis=0)
    bb2 = jnp.take(b2, op, axis=0)
    # PureFFN forward on the whole tensor
    h = jax.nn.relu(jnp.einsum('bsd,df->bsf', x, w1) + bb1)
    out = jnp.einsum('bsf,fd->bsd', h, w2) + bb2
    return out

if __name__ == "__main__":
    import jax
    _d = setup_inputs()
    print(jax.jit(kernel)(*tuple(_d.values())))

</pallas_src>

<mosaic_0001>
#map = affine_map<(d0, d1) -> (0)>
module attributes {stable_mosaic.version = 14 : i64} {
  func.func @route(%arg0: i32, %arg1: i32, %arg2: memref<16xf32, #tpu.memory_space<hbm>>, %arg3: memref<16xi32, #tpu.memory_space<hbm>>, %arg4: memref<16xf32, #tpu.memory_space<vmem>>, %arg5: memref<16xi32, #tpu.memory_space<vmem>>) attributes {dimension_semantics = [#tpu.dimension_semantics<core_parallel>, #tpu.dimension_semantics<subcore_parallel>], iteration_bounds = array<i64: 1, 16>, scalar_prefetch = 0 : i64, scratch_operands = 2 : i64, tpu.core_type = #tpu.core_type<sc_vector_subcore>, window_params = [{transform_indices = #map}, {transform_indices = #map}]} {
    %eq3A = arith.constant 0 : i32
    %eq3A_0 = arith.cmpi eq, %arg0, %eq3A : i32
    %eq3A_1 = arith.constant 0 : i32
    %eq3A_2 = arith.cmpi eq, %arg1, %eq3A_1 : i32
    %and3A = arith.andi %eq3A_0, %eq3A_2 : i1
    %convert_element_type3A = arith.extui %and3A : i1 to i32
    %cond3A = arith.constant 0 : i32
    %cond3A_3 = arith.cmpi ne, %convert_element_type3A, %cond3A : i32
    scf.if %cond3A_3 {
      "tpu.region"() ({
        %run_scoped3A = tpu.sem_alloc : memref<!tpu.dma_semaphore, #tpu.memory_space<semaphore_mem>>
        tpu.enqueue_dma source(%arg2 : memref<16xf32, #tpu.memory_space<hbm>>) target(%arg4 : memref<16xf32, #tpu.memory_space<vmem>>) target_semaphore(%run_scoped3A : memref<!tpu.dma_semaphore, #tpu.memory_space<semaphore_mem>>)
        tpu.wait_dma2 semaphore(%run_scoped3A : memref<!tpu.dma_semaphore, #tpu.memory_space<semaphore_mem>>) src(%arg2 : memref<16xf32, #tpu.memory_space<hbm>>) dst(%arg4 : memref<16xf32, #tpu.memory_space<vmem>>)
        tpu.yield
      }) : () -> ()
      %get3A = arith.constant 0 : index
      %get3A_4 = tpu.vector_load %arg4[%get3A] {strides = array<i32>} : memref<16xf32, #tpu.memory_space<vmem>>, vector<16xf32>,
      %reduce_max3A = arith.constant true
      %reduce_max3A_5 = vector.broadcast %reduce_max3A : i1 to vector<16xi1>
      %reduce_max3A_6 = tpu.scan <max>, %get3A_4 masked %reduce_max3A_5 : vector<16xf32>, vector<16xi1> -> vector<16xf32>
      %reduce_max3A_7 = vector.extract %reduce_max3A_6[15] : f32 from vector<16xf32>
      %iota3A = tpu.iota {dimensions = array<i32: 0>} : vector<16xi32>
      %eq3A_8 = vector.broadcast %reduce_max3A_7 : f32 to vector<16xf32>
      %eq3A_9 = arith.cmpf oeq, %get3A_4, %eq3A_8 : vector<16xf32>
      %jit3A = arith.constant 16 : i32
      %broadcast_in_dim3A = vector.broadcast %jit3A : i32 to vector<16xi32>
      %select_n3A = arith.select %eq3A_9, %iota3A, %broadcast_in_dim3A : vector<16xi1>, vector<16xi32>
      %reduce_min3A = arith.constant true
      %reduce_min3A_10 = vector.broadcast %reduce_min3A : i1 to vector<16xi1>
      %reduce_min3A_11 = arith.constant -2147483648 : i32
      %reduce_min3A_12 = vector.broadcast %reduce_min3A_11 : i32 to vector<16xi32>
      %reduce_min3A_13 = arith.xori %select_n3A, %reduce_min3A_12 : vector<16xi32>
      %reduce_min3A_14 = tpu.scan <min>, %reduce_min3A_13 masked %reduce_min3A_10 : vector<16xi32>, vector<16xi1> -> vector<16xi32>
      %reduce_min3A_15 = arith.xori %reduce_min3A_14, %reduce_min3A_12 : vector<16xi32>
      %reduce_min3A_16 = vector.extract %reduce_min3A_15[15] : i32 from vector<16xi32>
      %broadcast_in_dim3A_17 = vector.broadcast %reduce_min3A_16 : i32 to vector<16xi32>
      %swap3A = arith.constant 0 : index
      %swap3A_18 = tpu.vector_load %arg5[%swap3A] {strides = array<i32>} : memref<16xi32, #tpu.memory_space<vmem>>, vector<16xi32>,
      tpu.vector_store %arg5[%swap3A], %broadcast_in_dim3A_17 {strides = array<i32>} : memref<16xi32, #tpu.memory_space<vmem>>, vector<16xi32>,
      "tpu.region"() ({
        %run_scoped3A = tpu.sem_alloc : memref<!tpu.dma_semaphore, #tpu.memory_space<semaphore_mem>>
        tpu.enqueue_dma source(%arg5 : memref<16xi32, #tpu.memory_space<vmem>>) target(%arg3 : memref<16xi32, #tpu.memory_space<hbm>>) target_semaphore(%run_scoped3A : memref<!tpu.dma_semaphore, #tpu.memory_space<semaphore_mem>>)
        tpu.wait_dma2 semaphore(%run_scoped3A : memref<!tpu.dma_semaphore, #tpu.memory_space<semaphore_mem>>) src(%arg5 : memref<16xi32, #tpu.memory_space<vmem>>) dst(%arg3 : memref<16xi32, #tpu.memory_space<hbm>>)
        tpu.yield
      }) : () -> ()
    } else {
    }
    return
  }
}

module attributes {stable_mosaic.version = 14 : i64} {
  func.func @_hidden_body(%arg0: i32, %arg1: i32, %arg2: memref<16xi32, #tpu.memory_space<smem>>, %arg3: memref<1024x2048xf32, #tpu.memory_space<vmem>>, %arg4: memref<1x2048x2048xf32, #tpu.memory_space<vmem>>, %arg5: memref<1x1x2048xf32, #tpu.memory_space<vmem>>, %arg6: memref<1x256x2048xf32, #tpu.memory_space<vmem>>, %arg7: memref<1024x2048xbf16, #tpu.memory_space<vmem>>, %arg8: memref<256x2048xbf16, #tpu.memory_space<vmem>>) attributes {dimension_semantics = [#tpu.dimension_semantics<arbitrary>, #tpu.dimension_semantics<arbitrary>], iteration_bounds = array<i64: 4, 8>, scalar_prefetch = 1 : i64, scratch_operands = 0 : i64, tpu.core_type = #tpu.core_type<tc>, window_params = [{transform_indices = @transform_0, window_bounds = array<i64: 1024, 2048>}, {transform_indices = @transform_1, window_bounds = array<i64: 1, 2048, 2048>}, {transform_indices = @transform_2, window_bounds = array<i64: 1, 1, 2048>}, {transform_indices = @transform_3, window_bounds = array<i64: 1, 256, 2048>}, {transform_indices = @transform_4, window_bounds = array<i64: 1024, 2048>}, {transform_indices = @transform_5, window_bounds = array<i64: 256, 2048>}]} {
    %get3A = arith.constant 0 : index
    %get3A_0 = arith.constant 0 : index
    %get3A_1 = vector.load %arg3[%get3A, %get3A_0] : memref<1024x2048xf32, #tpu.memory_space<vmem>>, vector<1024x2048xf32>
    %get3A_2 = arith.constant 0 : index
    %get3A_3 = arith.constant 0 : index
    %get3A_4 = arith.constant 0 : index
    %get3A_5 = vector.load %arg4[%get3A_2, %get3A_3, %get3A_4] : memref<1x2048x2048xf32, #tpu.memory_space<vmem>>, vector<1x2048x2048xf32>
    %get3A_6 = vector.shape_cast %get3A_5 : vector<1x2048x2048xf32> to vector<2048x2048xf32>
    %dot_general3A = arith.constant dense<0.000000e+00> : vector<1024x2048xf32>
    %dot_general3A_7 = tpu.matmul %get3A_1, %get3A_6, %dot_general3A {dimension_numbers = #tpu.dot_dimension_numbers<[1], [0], [0], [1], [0, 0, 1, 1], [], []>, transpose_lhs_hint = false} : vector<1024x2048xf32>, vector<2048x2048xf32>, vector<1024x2048xf32> -> vector<1024x2048xf32>
    %get3A_8 = arith.constant 0 : index
    %get3A_9 = arith.constant 0 : index
    %get3A_10 = arith.constant 0 : index
    %get3A_11 = vector.load %arg5[%get3A_8, %get3A_9, %get3A_10] : memref<1x1x2048xf32, #tpu.memory_space<vmem>>, vector<1x1x2048xf32>
    %get3A_12 = vector.shape_cast %get3A_11 : vector<1x1x2048xf32> to vector<1x2048xf32>
    %add3A = vector.broadcast %get3A_12 : vector<1x2048xf32> to vector<1024x2048xf32>
    %add3A_13 = arith.addf %dot_general3A_7, %add3A : vector<1024x2048xf32>
    %max3A = arith.constant 0.000000e+00 : f32
    %max3A_14 = vector.broadcast %max3A : f32 to vector<1024x2048xf32>
    %max3A_15 = arith.maximumf %add3A_13, %max3A_14 : vector<1024x2048xf32>
    %convert_element_type3A = arith.truncf %max3A_15 : vector<1024x2048xf32> to vector<1024x2048xbf16>
    %swap3A = arith.constant 0 : index
    %swap3A_16 = arith.constant 0 : index
    %swap3A_17 = vector.load %arg7[%swap3A, %swap3A_16] : memref<1024x2048xbf16, #tpu.memory_space<vmem>>, vector<1024x2048xbf16>
    tpu.vector_store %arg7[%swap3A, %swap3A_16], %convert_element_type3A {strides = array<i32>} : memref<1024x2048xbf16, #tpu.memory_space<vmem>>, vector<1024x2048xbf16>,
    %get3A_18 = arith.constant 0 : index
    %get3A_19 = arith.constant 0 : index
    %get3A_20 = arith.constant 0 : index
    %get3A_21 = vector.load %arg6[%get3A_18, %get3A_19, %get3A_20] : memref<1x256x2048xf32, #tpu.memory_space<vmem>>, vector<1x256x2048xf32>
    %get3A_22 = vector.shape_cast %get3A_21 : vector<1x256x2048xf32> to vector<256x2048xf32>
    %convert_element_type3A_23 = arith.truncf %get3A_22 : vector<256x2048xf32> to vector<256x2048xbf16>
    %swap3A_24 = arith.constant 0 : index
    %swap3A_25 = arith.constant 0 : index
    %swap3A_26 = vector.load %arg8[%swap3A_24, %swap3A_25] : memref<256x2048xbf16, #tpu.memory_space<vmem>>, vector<256x2048xbf16>
    tpu.vector_store %arg8[%swap3A_24, %swap3A_25], %convert_element_type3A_23 {strides = array<i32>} : memref<256x2048xbf16, #tpu.memory_space<vmem>>, vector<256x2048xbf16>,
    return
  }
  func.func @transform_0(%arg0: i32, %arg1: i32, %arg2: memref<16xi32, #tpu.memory_space<smem>>) -> (i32, i32) {
    %c0_i32 = arith.constant 0 : i32
    %c0_i32_0 = arith.constant 0 : i32
    return %arg1, %c0_i32 : i32, i32
  }
  func.func @transform_1(%arg0: i32, %arg1: i32, %arg2: memref<16xi32, #tpu.memory_space<smem>>) -> (i32, i32, i32) {
    %get3A = arith.constant 0 : index
    %get3A_0 = memref.load %arg2[%get3A] : memref<16xi32, #tpu.memory_space<smem>>
    %c0_i32 = arith.constant 0 : i32
    %c0_i32_1 = arith.constant 0 : i32
    return %get3A_0, %c0_i32, %arg0 : i32, i32, i32
  }
  func.func @transform_2(%arg0: i32, %arg1: i32, %arg2: memref<16xi32, #tpu.memory_space<smem>>) -> (i32, i32, i32) {
    %get3A = arith.constant 0 : index
    %get3A_0 = memref.load %arg2[%get3A] : memref<16xi32, #tpu.memory_space<smem>>
    %c0_i32 = arith.constant 0 : i32
    %c0_i32_1 = arith.constant 0 : i32
    return %get3A_0, %c0_i32, %arg0 : i32, i32, i32
  }
  func.func @transform_3(%arg0: i32, %arg1: i32, %arg2: memref<16xi32, #tpu.memory_space<smem>>) -> (i32, i32, i32) {
    %get3A = arith.constant 0 : index
    %get3A_0 = memref.load %arg2[%get3A] : memref<16xi32, #tpu.memory_space<smem>>
    %mul3A = arith.constant 8 : i32
    %mul3A_1 = arith.muli %arg0, %mul3A : i32
    %add3A = arith.addi %mul3A_1, %arg1 : i32
    %c0_i32 = arith.constant 0 : i32
    %c0_i32_2 = arith.constant 0 : i32
    return %get3A_0, %add3A, %c0_i32 : i32, i32, i32
  }
  func.func @transform_4(%arg0: i32, %arg1: i32, %arg2: memref<16xi32, #tpu.memory_space<smem>>) -> (i32, i32) {
    %c0_i32 = arith.constant 0 : i32
    return %arg1, %arg0 : i32, i32
  }
  func.func @transform_5(%arg0: i32, %arg1: i32, %arg2: memref<16xi32, #tpu.memory_space<smem>>) -> (i32, i32) {
    %mul3A = arith.constant 8 : i32
    %mul3A_0 = arith.muli %arg0, %mul3A : i32
    %add3A = arith.addi %mul3A_0, %arg1 : i32
    %c0_i32 = arith.constant 0 : i32
    %c0_i32_1 = arith.constant 0 : i32
    return %add3A, %c0_i32 : i32, i32
  }
}

module attributes {stable_mosaic.version = 14 : i64} {
  func.func @_output_body(%arg0: i32, %arg1: i32, %arg2: memref<16xi32, #tpu.memory_space<smem>>, %arg3: memref<1024x8192xbf16, #tpu.memory_space<vmem>>, %arg4: memref<8192x512xbf16, #tpu.memory_space<vmem>>, %arg5: memref<1x1x512xf32, #tpu.memory_space<vmem>>, %arg6: memref<1024x512xf32, #tpu.memory_space<vmem>>) attributes {dimension_semantics = [#tpu.dimension_semantics<arbitrary>, #tpu.dimension_semantics<arbitrary>], iteration_bounds = array<i64: 8, 4>, scalar_prefetch = 1 : i64, scratch_operands = 0 : i64, tpu.core_type = #tpu.core_type<tc>, window_params = [{transform_indices = @transform_0, window_bounds = array<i64: 1024, 8192>}, {transform_indices = @transform_1, window_bounds = array<i64: 8192, 512>}, {transform_indices = @transform_2, window_bounds = array<i64: 1, 1, 512>}, {transform_indices = @transform_3, window_bounds = array<i64: 1024, 512>}]} {
    %get3A = arith.constant 0 : index
    %get3A_0 = arith.constant 0 : index
    %get3A_1 = vector.load %arg3[%get3A, %get3A_0] : memref<1024x8192xbf16, #tpu.memory_space<vmem>>, vector<1024x8192xbf16>
    %get3A_2 = arith.constant 0 : index
    %get3A_3 = arith.constant 0 : index
    %get3A_4 = vector.load %arg4[%get3A_2, %get3A_3] : memref<8192x512xbf16, #tpu.memory_space<vmem>>, vector<8192x512xbf16>
    %dot_general3A = arith.constant dense<0.000000e+00> : vector<1024x512xf32>
    %dot_general3A_5 = tpu.matmul %get3A_1, %get3A_4, %dot_general3A {dimension_numbers = #tpu.dot_dimension_numbers<[1], [0], [0], [1], [0, 0, 1, 1], [], []>, transpose_lhs_hint = false} : vector<1024x8192xbf16>, vector<8192x512xbf16>, vector<1024x512xf32> -> vector<1024x512xf32>
    %get3A_6 = arith.constant 0 : index
    %get3A_7 = arith.constant 0 : index
    %get3A_8 = arith.constant 0 : index
    %get3A_9 = vector.load %arg5[%get3A_6, %get3A_7, %get3A_8] : memref<1x1x512xf32, #tpu.memory_space<vmem>>, vector<1x1x512xf32>
    %get3A_10 = vector.shape_cast %get3A_9 : vector<1x1x512xf32> to vector<1x512xf32>
    %add3A = vector.broadcast %get3A_10 : vector<1x512xf32> to vector<1024x512xf32>
    %add3A_11 = arith.addf %dot_general3A_5, %add3A : vector<1024x512xf32>
    %swap3A = arith.constant 0 : index
    %swap3A_12 = arith.constant 0 : index
    %swap3A_13 = vector.load %arg6[%swap3A, %swap3A_12] : memref<1024x512xf32, #tpu.memory_space<vmem>>, vector<1024x512xf32>
    tpu.vector_store %arg6[%swap3A, %swap3A_12], %add3A_11 {strides = array<i32>} : memref<1024x512xf32, #tpu.memory_space<vmem>>, vector<1024x512xf32>,
    return
  }
  func.func @transform_0(%arg0: i32, %arg1: i32, %arg2: memref<16xi32, #tpu.memory_space<smem>>) -> (i32, i32) {
    %c0_i32 = arith.constant 0 : i32
    %c0_i32_0 = arith.constant 0 : i32
    return %arg0, %c0_i32 : i32, i32
  }
  func.func @transform_1(%arg0: i32, %arg1: i32, %arg2: memref<16xi32, #tpu.memory_space<smem>>) -> (i32, i32) {
    %c0_i32 = arith.constant 0 : i32
    %c0_i32_0 = arith.constant 0 : i32
    return %c0_i32, %arg1 : i32, i32
  }
  func.func @transform_2(%arg0: i32, %arg1: i32, %arg2: memref<16xi32, #tpu.memory_space<smem>>) -> (i32, i32, i32) {
    %get3A = arith.constant 0 : index
    %get3A_0 = memref.load %arg2[%get3A] : memref<16xi32, #tpu.memory_space<smem>>
    %c0_i32 = arith.constant 0 : i32
    %c0_i32_1 = arith.constant 0 : i32
    return %get3A_0, %c0_i32, %arg1 : i32, i32, i32
  }
  func.func @transform_3(%arg0: i32, %arg1: i32, %arg2: memref<16xi32, #tpu.memory_space<smem>>) -> (i32, i32) {
    %c0_i32 = arith.constant 0 : i32
    return %arg0, %arg1 : i32, i32
  }
}

</mosaic_0001>

<sc_bundles>
// kernel: kernel.5.cloned.1.call-start
scs
__scs_entry_jumppad:
0x0: {  	(pc) =	sbr.rel $0x88, $3  }
0x1: {  	(tag) =	ssettag $0x0;
	lr =	simm.s32 $0x1  }
0x2: {  	[smem:$0x3F9C] =	sst lr;
	_ =	strace $0xD0000000  }
0x3: {  	_ = 	snop  }
0x4: {  	_ = 	snop  }
0x5: {  	_ = 	snop  }
0x6: {  	_ = 	snop  }
0x7: {  	_ = 	snop  }
__scs_overlays_trampoline_lowered:
0x8: {  	[smem:$0x3FAB] =	sst s0  }
0x9: {  	[smem:$0x3FAC] =	sst s1  }
0xa: {  	[smem:$0x3FAD] =	sst s2  }
0xb: {  	[smem:$0x3FAE] =	sst s3  }
0xc: {  	[smem:$0x3FAF] =	sst s4  }
0xd: {  	[smem:$0x3FB0] =	sst s5  }
0xe: {  	[smem:$0x3FB1] =	sst s6  }
0xf: {  	[smem:$0x3FB2] =	sst s7  }
0x10: {  	[smem:$0x3FB3] =	sst s8  }
0x11: {  	[smem:$0x3FB4] =	sst s9;
	s0 =	simm.s32 @!p0 $0x0  }
0x12: {  	s1 =	sld [smem:$0x3F9A];
	s0 =	simm.s32 @p0 $0x1  }
0x13: {  	[smem:$0x3FB5] =	sst s0;
	s0 =	simm.s32 @!p1 $0x0  }
0x14: {  	s2 =	sld [smem:$0x3F99];
	s0 =	simm.s32 @p1 $0x1  }
0x15: {  	[smem:$0x3FB6] =	sst s0;
	s0 =	simm.s32 @!p2 $0x0  }
0x16: {  	s3 =	sld [smem:$0x3FDB];
	s0 =	simm.s32 @p2 $0x1  }
0x17: {  	s4 =	simm.s32 $0x1BF5;
	[smem:$0x3FB8] =	sst s0  }
0x18: {  	s0 =	sld [smem:$0x3F9B];
	_ =	swait.ge [sflag:s4], $0x0  }
0x19: {  	s7 =	sld [smem:$0x3F9C]  }
0x1a: {  	s8 =	sadd.s32 $0xFFFFE003, lr  }
0x1b: {  	s9 =	sadd.s32 $0xFFFFFEF7, lr;
	s5 =	simm.s32 $0xFFFFFFFF;
	p2 =	slt.u32 s8, $0xFFFFF086  }
0x1c: {  	p1 =	slt.u32 s9, $0xF7A;
	s5 =	simm.s32 @!p2 $0x0  }
0x1d: {  	s5 =	simm.s32 @p1 $0x1;
	p0 =	seq.s32 s7, s2  }
0x1e: {  	s7 =	smul.u32 @!p0 $0xF7A, s2;
	p2 =	seq.s32 @!p0 s5, $0x0  }
0x1f: {  	s9 =	smul.u32 $0xF7A, s1;
	s8 =	simm.s32 @!p0 $0x1BF5;
	p2 =	por !p2, p0  }
0x20: {  	[sflag:s8] =	ssyncset.s32 @!p0 $0xFFFFF086;
	s6 =	sadd.s32 @!p0 s3, s7;
	s7 =	simm.s32 @!p0 $0x108  }
0x21: {  	s3 =	sadd.s32 s3, s9;
	s6 =	sadd.s32 @!p0 $0x88, s6;
	s7 =	simm.s32 @p2 $0x1082  }
0x22: {  	[simem:s7], [sflag:s8] =	dma.local @!p0 [hbm:s6], $0xF7A  }
0x23: {  	s9 =	sor.u32 $0xD0000000, s2;
	s6 =	simm.s32 $0x108;
	_ =	swait.ge @!p0 [sflag:s8], $0x0  }
0x24: {  	s3 =	sadd.s32 $0x88, s3;
	s6 =	simm.s32 @!p1 $0x1082;
	[sflag:s4] =	ssyncset.s32 $0xFFFFF086  }
0x25: {  	[simem:s6], [sflag:s4] =	dma.local [hbm:s3], $0xF7A  }
0x26: {  	[smem:$0x3F9C] =	sst s1;
	(tag) =	ssettag s2;
	_ =	strace s9  }
0x27: {  	s1 =	sld [smem:$0x3FAC]  }
0x28: {  	s2 =	sld [smem:$0x3FAD]  }
0x29: {  	s4 =	sld [smem:$0x3FAF]  }
0x2a: {  	p0 =	seq.s32 s5, $0x0;
	s5 =	sld [smem:$0x3FB0]  }
0x2b: {  	s6 =	sld [smem:$0x3FB1]  }
0x2c: {  	s7 =	sld [smem:$0x3FB2]  }
0x2d: {  	s3 =	simm.s32 $0x108;
	s8 =	sld [smem:$0x3FB3]  }
0x2e: {  	s3 =	simm.s32 @!p0 $0x1082;
	s9 =	sld [smem:$0x3FB4]  }
0x2f: {  	lr =	sadd.s32 s0, s3;
	s0 =	sld [smem:$0x3FAB]  }
0x30: {  	s3 =	sld [smem:$0x3FAE]  }
0x31: {  	[smem:$0x3FB7] =	sst s10  }
0x32: {  	s10 =	sld [smem:$0x3FB5];
	_ =	sdelay $0x3  }
0x33: {  	p0 =	seq.s32 s10, $0x1;
	s10 =	sld [smem:$0x3FB7];
	_ =	sdelay $0x3  }
0x34: {  	[smem:$0x3FB7] =	sst s10  }
0x35: {  	s10 =	sld [smem:$0x3FB6];
	_ =	sdelay $0x3  }
0x36: {  	p1 =	seq.s32 s10, $0x1;
	s10 =	sld [smem:$0x3FB7];
	_ =	sdelay $0x3  }
0x37: {  	[smem:$0x3FB7] =	sst s10  }
0x38: {  	s10 =	sld [smem:$0x3FB8]  }
0x39: {  	_ = 	snop;
	(pc) =	sbr.ind lr, $3  }
0x3a: {  	_ = 	snop  }
0x3b: {  	_ = 	snop  }
0x3c: {  	p2 =	seq.s32 s10, $0x1;
	s10 =	sld [smem:$0x3FB7]  }
0x3d: {  	_ =	shalt  }
0x3e: {  	_ =	shalt  }
0x3f: {  	_ =	shalt  }
0x40: {  	_ =	shalt  }
0x41: {  	_ =	shalt  }
0x42: {  	_ =	shalt  }
0x43: {  	_ =	shalt  }
0x44: {  	_ =	shalt  }
0x45: {  	_ =	shalt  }
0x46: {  	_ =	shalt  }
0x47: {  	_ =	shalt  }
0x48: {  	_ =	shalt  }
0x49: {  	_ =	shalt  }
0x4a: {  	_ =	shalt  }
0x4b: {  	_ =	shalt  }
0x4c: {  	_ =	shalt  }
0x4d: {  	_ =	shalt  }
0x4e: {  	_ =	shalt  }
0x4f: {  	_ =	shalt  }
0x50: {  	_ =	shalt  }
0x51: {  	_ =	shalt  }
0x52: {  	_ =	shalt  }
0x53: {  	_ =	shalt  }
0x54: {  	_ =	shalt  }
0x55: {  	_ =	shalt  }
0x56: {  	_ =	shalt  }
0x57: {  	_ =	shalt  }
0x58: {  	_ =	shalt  }
0x59: {  	_ =	shalt  }
0x5a: {  	_ =	shalt  }
0x5b: {  	_ =	shalt  }
0x5c: {  	_ =	shalt  }
0x5d: {  	_ =	shalt  }
0x5e: {  	_ =	shalt  }
0x5f: {  	_ =	shalt  }
0x60: {  	_ =	shalt  }
0x61: {  	_ =	shalt  }
0x62: {  	_ =	shalt  }
0x63: {  	_ =	shalt  }
0x64: {  	_ =	shalt  }
0x65: {  	_ =	shalt  }
0x66: {  	_ =	shalt  }
0x67: {  	_ =	shalt  }
0x68: {  	_ =	shalt  }
0x69: {  	_ =	shalt  }
0x6a: {  	_ =	shalt  }
0x6b: {  	_ =	shalt  }
0x6c: {  	_ =	shalt  }
0x6d: {  	_ =	shalt  }
0x6e: {  	_ =	shalt  }
0x6f: {  	_ =	shalt  }
0x70: {  	_ =	shalt  }
0x71: {  	_ =	shalt  }
0x72: {  	_ =	shalt  }
0x73: {  	_ =	shalt  }
0x74: {  	_ =	shalt  }
0x75: {  	_ =	shalt  }
0x76: {  	_ =	shalt  }
0x77: {  	_ =	shalt  }
0x78: {  	_ =	shalt  }
0x79: {  	_ =	shalt  }
0x7a: {  	_ =	shalt  }
0x7b: {  	_ =	shalt  }
0x7c: {  	_ =	shalt  }
0x7d: {  	_ =	shalt  }
0x7e: {  	_ =	shalt  }
0x7f: {  	_ =	shalt  }
0x80: {  	_ =	shalt  }
0x81: {  	_ =	shalt  }
0x82: {  	_ =	shalt  }
0x83: {  	_ =	shalt  }
0x84: {  	_ =	shalt  }
0x85: {  	_ =	shalt  }
0x86: {  	_ =	shalt  }
0x87: {  	_ =	shalt  }
.Lfunc_end0:
.L_simem_size_0:
called_computation_lowered:
.L_overlay_start_0:
0x88: {  	s0 =	sld [smem:$0x3FD9]  }
0x89: {  	s1 =	sld [smem:$0x3FFE];
	_ =	sdelay $0x3  }
0x8a: {  	s0 =	sadd.s32 s1, s0  }
0x8b: {  	[smem:$0x3FC3] =	sst s0  }
0x8c: {  	_ = 	snop  }
0x8d: {  	(tm) =	ssettm $0x1  }
0x8e: {  	s15 =	sld [smem:$0x3FFB];
	_ =	sdelay $0x3  }
0x8f: {  	_ =	strace s15  }
0x90: {  	s0 =	sld [smem:$0x3FFC];
	_ =	sdelay $0x3  }
0x91: {  	_ =	strace s0  }
0x92: {  	s0 =	sld [smem:$0x3FFD];
	_ =	sdelay $0x3  }
0x93: {  	_ =	strace s0  }
0x94: {  	_ =	strace $0x8FFFFFFF  }
0x95: {  	s16 =	sld [smem:$0x3FDB];
	_ =	sdelay $0x1  }
0x96: {  	s17 =	simm.s32 $_scs_section_size  }
0x97: {  	s2 =	simm.s32 $_size__tile_overlayer_lowered;
	s3 =	simm.s32 $_tile_overlayer_lowered  }
0x98: {  	s20 =	simm.s32 $0x1BFF;
	s19 =	sshll.u32 s3, $0x1;
	s0 =	sadd.s32 s17, s16  }
0x99: {  	s4 =	simm.s32 $0x0;
	s18 =	sshll.u32 s2, $0x1;
	s2 =	sadd.s32 s19, s0  }
0x9a: {  	[timem:s4], [sflag:s20] =	dma.local [hbm:s2], s18  }
0x9b: {  	_ =	swait.ge [sflag:s20], s18  }
0x9c: {  	s1 =	ssub.s32 $0x0, s18;
	[sflag:s20] =	ssyncset.done $0x0  }
0x9d: {  	[sflag:s20] =	ssyncadd.s32 s1;
	_ =	sdelay $0x1  }
0x9e: {  	s21 =	simm.s32 $0x1B8B  }
0x9f: {  	_ =	swait.ge [sflag:s21], $0x1  }
0xa0: {  	[sflag:s21] =	ssyncset.done $0x0  }
0xa1: {  	s23 =	simm.s32 $0x1B8E;
	s22 =	sld [smem:$0x3FFE];
	[sflag:s21] =	ssyncadd.s32 $0xFFFFFFFF  }
0xa2: {  	s24 =	simm.s32 $execute0_lowered;
	[smem:$0x3FD2] =	sst s23  }
0xa3: {  	s2 =	sshll.u32 s24, $0x1;
	_ =	strace $0x80000046;
	[dreg:$0x1] =	wrdreg $0xFFFFFFFF  }
0xa4: {  	s25 =	simm.s32 $_size_execute0_lowered;
	s0 =	sadd.s32 s0, s2;
	[dreg:$0x0] =	wrdreg $0x0  }
0xa5: {  	s2 =	sshll.u32 s25, $0x1;
	[dreg:$0x2] =	wrdreg s0  }
0xa6: {  	[dreg:$0x3] =	wrdreg s2  }
0xa7: {  	[dreg:$0x4] =	wrdreg $0xC0  }
0xa8: {  	_ =	task [dreg:s4], $0x5FFFF  }
0xa9: {  	[dreg:$0x1] =	wrdreg $0xFFFFFFFF  }
0xaa: {  	[dreg:$0x0] =	wrdreg $0x60  }
0xab: {  	[dreg:$0x2] =	wrdreg s22  }
0xac: {  	[dreg:$0x3] =	wrdreg $0x9  }
0xad: {  	_ =	task.clear_ibuf [dreg:s4], $0x4FFFF;
	_ =	strace $0x90000046  }
0xae: {  	s26 =	simm.s32 $0x9;
	_ =	strace $0x80000048  }
0xaf: {  	_ =	swait.ge [sflag:s26], $0x1  }
0xb0: {  	[sflag:s26] =	ssyncadd.s32 $0xFFFFFFFF  }
0xb1: {  	_ =	strace $0x90000048  }
0xb2: {  	_ =	sfence  }
0xb3: {  	s28 =	sld [smem:$0x0];
	_ =	sdelay $0x1  }
0xb4: {  	s29 =	srdreg.scid  }
0xb5: {  	s30 =	sshll.u32 s29, $0xD;
	s31 =	sshrl.u32 s29, $0x2  }
0xb6: {  	s1 =	sand.u32 $0x1, s29;
	s2 =	sand.u32 $0x4000, s30;
	s0 =	sadd.s32 s31, s28  }
0xb7: {  	s1 =	sor.u32 s2, s1;
	s0 =	sshll.u32 s0, $0x11  }
0xb8: {  	s0 =	sor.u32 s0, s1  }
0xb9: {  	s0 =	sadd.s32 $0x8F2B, s0  }
0xba: {  	[sflag:s0] =	ssyncadd.remote.s32 $0x1  }
0xbb: {  	_ =	sfence.sel $0xFFFF  }
0xbc: {  	[dreg:$0x0] =	wrdreg $0xFFFFFFFF;
	(pc) =	sbr.abs _section_cstart, $3  }
0xbd: {  	[dreg:$0x1] =	wrdreg $0xFFFFFFFF  }
0xbe: {  	_ =	task.clear_ibuf [dreg:s4], $0x2FFFF;
	_ =	strace $0x9FFFFFFF  }
0xbf: {  	(tm) =	ssettm $0x7FFFFFFF  }
tec
execute0_lowered:
.L_overlay_start_1:
0x0: {  	(tag) =	ssettag $0x1  }
0x1: {  	s0 =	rddreg [dreg:$0x0];
	s2 =	stileid.u32  }
0x2: {  	s1 =	rddreg [dreg:$0x1];
	_ =	strace $0x80000047;
	p0 =	sne.s32 s2, $0x0  }
0x3: {  	_ =	sfence.sel @p0 $0x180000  }
0x4: {  	[bflag:$0x0] =	sbarrier.arrive @p0 $0xFFFF  }
0x5: {  	_ =	strace @p0 $0x90000047  }
0x6: {  	s2 =	sadd.s32 $0x600, s0;
	s3 =	simm.s32 @!p0 $0x0;
	[bflag:$0x2] =	sbarrier.arrive @p0 $0xFFFF  }
0x7: {  	[tilespmem:s3], [sflag:$0x1] =	stream.linear.gather @!p0 [hbm4b:s2+s3], $0x80, $0x38;
	[tilespmem:$0x100] =	vst v63  }
0x8: {  	s2 =	simm.s32 @!p0 $0x1  }
0x9: {  	_ =	swait.ge @!p0 [sflag:s2], $0x80  }
0xa: {  	[sflag:s2] =	ssyncset.done @!p0 $0x0  }
0xb: {  	[sflag:s2] =	ssyncadd.s32 @!p0 $0xFFFFFF80  }
0xc: {  	v0 =	vld @!p0 [tilespmem:$0x0];
	_ =	sdelay $0x4  }
0xd: {  	(xrf0) =	vmax.scan.msk.f32 @!p0 $0xffff, v0;
	_ =	sdelay $0x5  }
0xe: {  	v1, _, _ =	vpop @!p0 (xrf0)  }
0xf: {  	v1 =	vbroadcast @!p0 v1, $0xF  }
0x10: {  	v2 =	vlaneseq.u32 @!p0  }
0x11: {  	vm0 =	veq.f32 @!p0 v0, v1;
	v0 =	vor.u32 @!p0 $0x80000000, v2  }
0x12: {  	v0 =	vnsel @!p0 vm0, $0x80000010, v0  }
0x13: {  	(xrf0) =	vmin.scan.msk.u32 @!p0 $0xffff, v0;
	_ =	sdelay $0x5  }
0x14: {  	v0, _, _ =	vpop @!p0 (xrf0)  }
0x15: {  	(v2sf) =	vpush @!p0 v0, $0xF;
	_ =	sdelay $0xe  }
0x16: {  	s4 =	spop @!p0 (v2sf)  }
0x17: {  	s4 =	sxor.u32 @!p0 $0x80000000, s4  }
0x18: {  	v0 =	vmov @!p0 s4  }
0x19: {  	s0 =	sadd.s32 $0x800, s0;
	s4 =	simm.s32 @!p0 $0x80;
	[tilespmem:$0x80] =	vst @!p0 v0  }
0x1a: {  	[hbm4b:s0+s3] =	stream.linear.scatter @!p0 [tilespmem:s4], [sflag:$0x1], $0x80, $0x38;
	[tilespmem:$0x100] =	vst v63  }
0x1b: {  	_ =	swait.ge @!p0 [sflag:s2], $0x80  }
0x1c: {  	[sflag:s2] =	ssyncset.done @!p0 $0x0  }
0x1d: {  	[sflag:s2] =	ssyncadd.s32 @!p0 $0xFFFFFF80  }
0x1e: {  	_ =	sfence.sel @!p0 $0x180000  }
0x1f: {  	[bflag:$0x0] =	sbarrier.arrive @!p0 $0xFFFF  }
0x20: {  	_ =	strace @!p0 $0x90000047  }
0x21: {  	s0 =	sadd.s32 @!p0 $0x100000, s1;
	[bflag:$0x2] =	sbarrier.arrive @!p0 $0xFFFF  }
0x22: {  	[sflag:s0] =	ssyncadd.tile.s32 @!p0 $0x1;
	_ =	shalt  }
.Lfunc_end2:
_tile_overlayer_lowered:
.L_overlay_start_2:
0x23: {  	(tag) =	ssettag $0x2  }
0x24: {  	s0 =	rddreg [dreg:$0x0];
	s2 =	stileid.u32  }
0x25: {  	s1 =	rddreg [dreg:$0x1];
	p0 =	sne.s32 s2, $0x0  }
0x26: {  	s3 =	rddreg [dreg:$0x2];
	[bflag:$0x3] =	sbarrier.arrive $0xFFFF;
	s2 =	simm.s32 @!p0 $0x1C01  }
0x27: {  	[timem:s3], [sflag:s2] =	dma.local @!p0 [hbm:s0], s1  }
0x28: {  	s0 =	simm.s32 @!p0 $0x1  }
0x29: {  	_ =	swait.ge @!p0 [sflag:s0], s1  }
0x2a: {  	s1 =	ssub.s32 @!p0 $0x0, s1;
	[sflag:s0] =	ssyncset.done @!p0 $0x0  }
0x2b: {  	[sflag:s0] =	ssyncadd.s32 @!p0 s1  }
0x2c: {  	[bflag:$0x3] =	sbarrier.arrive $0xFFFF  }
0x2d: {  	_ =	shalt  }

</sc_bundles>
